<compile_context>
chip_gen: v7x
topology: tpu7x:2x2x1
jax: 0.10.2.dev20260603
libtpu: 0.0.44.dev20260713+nightly
codegen_flags: <defaults>
</compile_context>

<pallas_src>
import functools

import jax
import jax.numpy as jnp
from jax import lax
from jax.experimental import pallas as pl
from jax.experimental.pallas import tpu as pltpu
from jax.experimental.pallas import tpu_sc as plsc

D_MODEL = 128
NUM_CORES = 2
NUM_SUBCORES = 16
NUM_WORKERS = NUM_CORES * NUM_SUBCORES

CHUNK = 256
NBUF = 3
DEPTH = 3


@functools.lru_cache(maxsize=None)
def _make_gather(batch: int, seq: int):
    B = batch * seq
    assert B % NUM_WORKERS == 0
    b_per_w = B // NUM_WORKERS
    assert seq % b_per_w == 0
    w_per_row = seq // b_per_w
    assert b_per_w % CHUNK == 0
    n_chunks = b_per_w // CHUNK
    mesh = plsc.VectorSubcoreMesh(core_axis_name="c", subcore_axis_name="s")

    @functools.partial(
        pl.kernel,
        mesh=mesh,
        out_type=jax.ShapeDtypeStruct((B, D_MODEL), jnp.float32),
        scratch_types=[
            pltpu.VMEM((b_per_w,), jnp.int32),
            pltpu.VMEM((NBUF, CHUNK, D_MODEL), jnp.float32),
        ]
        + [pltpu.SemaphoreType.DMA] * (2 * NBUF + n_chunks),
    )
    def grab(idx_hbm, table_hbm, out_hbm, idx_v, rows_v, *sems):
        gsem, wsem = sems[:NBUF], sems[NBUF : 2 * NBUF]
        isem = sems[2 * NBUF :]
        wid = lax.axis_index("s") * NUM_CORES + lax.axis_index("c")
        base = wid * b_per_w
        row = wid // w_per_row
        col = (wid % w_per_row) * b_per_w

        idx_loads = [
            pltpu.async_copy(
                idx_hbm.at[row, pl.ds(col + c * CHUNK, CHUNK)],
                idx_v.at[pl.ds(c * CHUNK, CHUNK)],
                isem[c],
            )
            for c in range(n_chunks)
        ]

        gathers = [None] * n_chunks
        writes = [None] * n_chunks

        def start_write(d):
            gathers[d].wait()
            writes[d] = pltpu.async_copy(
                rows_v.at[d % NBUF],
                out_hbm.at[pl.ds(base + d * CHUNK, CHUNK)],
                wsem[d % NBUF],
            )

        for c in range(n_chunks):
            b = c % NBUF
            if c >= NBUF:
                writes[c - NBUF].wait()
            idx_loads[c].wait()
            gathers[c] = pltpu.async_copy(
                table_hbm.at[idx_v.at[pl.ds(c * CHUNK, CHUNK)]],
                rows_v.at[b],
                gsem[b],
            )
            if c - (DEPTH - 1) >= 0:
                start_write(c - (DEPTH - 1))
        for d in range(n_chunks - (DEPTH - 1), n_chunks):
            start_write(d)
        for d in range(max(0, n_chunks - NBUF), n_chunks):
            writes[d].wait()

    return grab


def kernel(x, table):
    batch, seq = x.shape
    out = _make_gather(batch, seq)(x.astype(jnp.int32), table)
    return out.reshape(batch, seq, D_MODEL)

# --- scband reference (transcript-rebuilt; emitter-appended) ---
"""Pipeline reference for scband-positional-embeddings-9457517985849 (READ-ONLY COPY).

The authoritative reference and input builder live on the scoring server;
editing this copy changes nothing except your own understanding.
"""

import jax, jax.numpy as jnp
import numpy as np

D_MODEL = 128
MAX_LEN = 8192
BATCH = 4
SEQ_LEN = 8192

def setup_inputs(seed: int = 0) -> dict:
    key = jax.random.key(seed)
    k_idx, k_tab = jax.random.split(key)
    x = jax.random.randint(k_idx, (BATCH, SEQ_LEN), 0, MAX_LEN, dtype=jnp.int64 if jax.config.jax_enable_x64 else jnp.int32)
    # nn.Embedding default init: N(0, 1)
    table = jax.random.normal(k_tab, (MAX_LEN, D_MODEL), dtype=jnp.float32)
    return {"x": x, "table": table}

def reference(x, table):
    # PositionalEmbeddings.forward: self.embeds(x) -> gather rows of table
    return jnp.take(table, x, axis=0)

if __name__ == "__main__":
    import jax
    _d = setup_inputs()
    print(jax.jit(kernel)(*tuple(_d.values())))

</pallas_src>

<mosaic_0001>
#map = affine_map<(d0, d1) -> (0, 0)>
module attributes {stable_mosaic.version = 14 : i64} {
  func.func @grab(%arg0: i32, %arg1: i32, %arg2: memref<4x8192xi32, #tpu.memory_space<hbm>>, %arg3: memref<8192x128xf32, #tpu.memory_space<hbm>>, %arg4: memref<32768x128xf32, #tpu.memory_space<hbm>>, %arg5: memref<1024xi32, #tpu.memory_space<vmem>>, %arg6: memref<3x256x128xf32, #tpu.memory_space<vmem>>, %arg7: memref<!tpu.dma_semaphore, #tpu.memory_space<semaphore_mem>>, %arg8: memref<!tpu.dma_semaphore, #tpu.memory_space<semaphore_mem>>, %arg9: memref<!tpu.dma_semaphore, #tpu.memory_space<semaphore_mem>>, %arg10: memref<!tpu.dma_semaphore, #tpu.memory_space<semaphore_mem>>, %arg11: memref<!tpu.dma_semaphore, #tpu.memory_space<semaphore_mem>>, %arg12: memref<!tpu.dma_semaphore, #tpu.memory_space<semaphore_mem>>, %arg13: memref<!tpu.dma_semaphore, #tpu.memory_space<semaphore_mem>>, %arg14: memref<!tpu.dma_semaphore, #tpu.memory_space<semaphore_mem>>, %arg15: memref<!tpu.dma_semaphore, #tpu.memory_space<semaphore_mem>>, %arg16: memref<!tpu.dma_semaphore, #tpu.memory_space<semaphore_mem>>) attributes {dimension_semantics = [#tpu.dimension_semantics<core_parallel>, #tpu.dimension_semantics<subcore_parallel>], iteration_bounds = array<i64: 2, 16>, scalar_prefetch = 0 : i64, scratch_operands = 12 : i64, tpu.core_type = #tpu.core_type<sc_vector_subcore>, window_params = [{transform_indices = #map}, {transform_indices = #map}, {transform_indices = #map}]} {
    %mul3A = arith.constant 2 : i32
    %mul3A_0 = arith.muli %arg1, %mul3A : i32
    %add3A = arith.addi %mul3A_0, %arg0 : i32
    %mul3A_1 = arith.constant 1024 : i32
    %mul3A_2 = arith.muli %add3A, %mul3A_1 : i32
    %jit3A = arith.constant 8 : i32
    %div3A = arith.divsi %add3A, %jit3A : i32
    %sign3A = arith.constant 0 : i32
    %sign3A_3 = arith.cmpi sgt, %add3A, %sign3A : i32
    %sign3A_4 = arith.extui %sign3A_3 : i1 to i32
    %sign3A_5 = arith.constant 0 : i32
    %sign3A_6 = arith.cmpi slt, %add3A, %sign3A_5 : i32
    %sign3A_7 = arith.extui %sign3A_6 : i1 to i32
    %sign3A_8 = arith.subi %sign3A_4, %sign3A_7 : i32
    %sign3A_9 = arith.constant 0 : i32
    %sign3A_10 = arith.cmpi sgt, %jit3A, %sign3A_9 : i32
    %sign3A_11 = arith.extui %sign3A_10 : i1 to i32
    %sign3A_12 = arith.constant 0 : i32
    %sign3A_13 = arith.cmpi slt, %jit3A, %sign3A_12 : i32
    %sign3A_14 = arith.extui %sign3A_13 : i1 to i32
    %sign3A_15 = arith.subi %sign3A_11, %sign3A_14 : i32
    %ne3A = arith.cmpi ne, %sign3A_8, %sign3A_15 : i32
    %rem3A = arith.remsi %add3A, %jit3A : i32
    %ne3A_16 = arith.constant 0 : i32
    %ne3A_17 = arith.cmpi ne, %rem3A, %ne3A_16 : i32
    %and3A = arith.andi %ne3A, %ne3A_17 : i1
    %sub3A = arith.constant 1 : i32
    %sub3A_18 = arith.subi %div3A, %sub3A : i32
    %select_n3A = arith.select %and3A, %sub3A_18, %div3A : i32
    %jit3A_19 = arith.constant 8 : i32
    %eq3A = arith.constant 0 : i32
    %eq3A_20 = arith.cmpi eq, %jit3A_19, %eq3A : i32
    %jit3A_21 = arith.constant 1 : i32
    %select_n3A_22 = arith.select %eq3A_20, %jit3A_21, %jit3A_19 : i32
    %rem3A_23 = arith.remsi %add3A, %select_n3A_22 : i32
    %ne3A_24 = arith.constant 0 : i32
    %ne3A_25 = arith.cmpi ne, %rem3A_23, %ne3A_24 : i32
    %lt3A = arith.constant 0 : i32
    %lt3A_26 = arith.cmpi slt, %rem3A_23, %lt3A : i32
    %lt3A_27 = arith.constant 0 : i32
    %lt3A_28 = arith.cmpi slt, %select_n3A_22, %lt3A_27 : i32
    %ne3A_29 = arith.xori %lt3A_26, %lt3A_28 : i1
    %and3A_30 = arith.andi %ne3A_29, %ne3A_25 : i1
    %add3A_31 = arith.addi %rem3A_23, %select_n3A_22 : i32
    %select_n3A_32 = arith.select %and3A_30, %add3A_31, %rem3A_23 : i32
    %mul3A_33 = arith.constant 1024 : i32
    %mul3A_34 = arith.muli %select_n3A_32, %mul3A_33 : i32
    %add3A_35 = arith.constant 0 : i32
    %add3A_36 = arith.addi %mul3A_34, %add3A_35 : i32
    %dma_start3A = arith.constant 0 : i32
    %dma_start3A_37 = tpu.memref_slice %arg5[%dma_start3A] : memref<1024xi32, #tpu.memory_space<vmem>> -> memref<256xi32, #tpu.memory_space<vmem>>
    %dma_start3A_38 = tpu.memref_slice %arg2[%select_n3A, %add3A_36] : memref<4x8192xi32, #tpu.memory_space<hbm>> -> memref<1x256xi32, #tpu.memory_space<hbm>>
    %dma_start3A_39 = tpu.memref_squeeze %dma_start3A_38 : memref<1x256xi32, #tpu.memory_space<hbm>> -> memref<256xi32, #tpu.memory_space<hbm>>
    %dma_start3A_40 = arith.constant 0 : i32
    %dma_start3A_41 = tpu.memref_slice %arg5[%dma_start3A_40] : memref<1024xi32, #tpu.memory_space<vmem>> -> memref<256xi32, #tpu.memory_space<vmem>>
    %dma_start3A_42 = tpu.memref_slice %arg2[%select_n3A, %add3A_36] : memref<4x8192xi32, #tpu.memory_space<hbm>> -> memref<1x256xi32, #tpu.memory_space<hbm>>
    %dma_start3A_43 = tpu.memref_squeeze %dma_start3A_42 : memref<1x256xi32, #tpu.memory_space<hbm>> -> memref<256xi32, #tpu.memory_space<hbm>>
    tpu.enqueue_dma source(%dma_start3A_43 : memref<256xi32, #tpu.memory_space<hbm>>) target(%dma_start3A_41 : memref<256xi32, #tpu.memory_space<vmem>>) target_semaphore(%arg13 : memref<!tpu.dma_semaphore, #tpu.memory_space<semaphore_mem>>)
    %add3A_44 = arith.constant 256 : i32
    %add3A_45 = arith.addi %mul3A_34, %add3A_44 : i32
    %dma_start3A_46 = arith.constant 256 : i32
    %dma_start3A_47 = tpu.memref_slice %arg5[%dma_start3A_46] : memref<1024xi32, #tpu.memory_space<vmem>> -> memref<256xi32, #tpu.memory_space<vmem>>
    %dma_start3A_48 = tpu.memref_slice %arg2[%select_n3A, %add3A_45] : memref<4x8192xi32, #tpu.memory_space<hbm>> -> memref<1x256xi32, #tpu.memory_space<hbm>>
    %dma_start3A_49 = tpu.memref_squeeze %dma_start3A_48 : memref<1x256xi32, #tpu.memory_space<hbm>> -> memref<256xi32, #tpu.memory_space<hbm>>
    %dma_start3A_50 = arith.constant 256 : i32
    %dma_start3A_51 = tpu.memref_slice %arg5[%dma_start3A_50] : memref<1024xi32, #tpu.memory_space<vmem>> -> memref<256xi32, #tpu.memory_space<vmem>>
    %dma_start3A_52 = tpu.memref_slice %arg2[%select_n3A, %add3A_45] : memref<4x8192xi32, #tpu.memory_space<hbm>> -> memref<1x256xi32, #tpu.memory_space<hbm>>
    %dma_start3A_53 = tpu.memref_squeeze %dma_start3A_52 : memref<1x256xi32, #tpu.memory_space<hbm>> -> memref<256xi32, #tpu.memory_space<hbm>>
    tpu.enqueue_dma source(%dma_start3A_53 : memref<256xi32, #tpu.memory_space<hbm>>) target(%dma_start3A_51 : memref<256xi32, #tpu.memory_space<vmem>>) target_semaphore(%arg14 : memref<!tpu.dma_semaphore, #tpu.memory_space<semaphore_mem>>)
    %add3A_54 = arith.constant 512 : i32
    %add3A_55 = arith.addi %mul3A_34, %add3A_54 : i32
    %dma_start3A_56 = arith.constant 512 : i32
    %dma_start3A_57 = tpu.memref_slice %arg5[%dma_start3A_56] : memref<1024xi32, #tpu.memory_space<vmem>> -> memref<256xi32, #tpu.memory_space<vmem>>
    %dma_start3A_58 = tpu.memref_slice %arg2[%select_n3A, %add3A_55] : memref<4x8192xi32, #tpu.memory_space<hbm>> -> memref<1x256xi32, #tpu.memory_space<hbm>>
    %dma_start3A_59 = tpu.memref_squeeze %dma_start3A_58 : memref<1x256xi32, #tpu.memory_space<hbm>> -> memref<256xi32, #tpu.memory_space<hbm>>
    %dma_start3A_60 = arith.constant 512 : i32
    %dma_start3A_61 = tpu.memref_slice %arg5[%dma_start3A_60] : memref<1024xi32, #tpu.memory_space<vmem>> -> memref<256xi32, #tpu.memory_space<vmem>>
    %dma_start3A_62 = tpu.memref_slice %arg2[%select_n3A, %add3A_55] : memref<4x8192xi32, #tpu.memory_space<hbm>> -> memref<1x256xi32, #tpu.memory_space<hbm>>
    %dma_start3A_63 = tpu.memref_squeeze %dma_start3A_62 : memref<1x256xi32, #tpu.memory_space<hbm>> -> memref<256xi32, #tpu.memory_space<hbm>>
    tpu.enqueue_dma source(%dma_start3A_63 : memref<256xi32, #tpu.memory_space<hbm>>) target(%dma_start3A_61 : memref<256xi32, #tpu.memory_space<vmem>>) target_semaphore(%arg15 : memref<!tpu.dma_semaphore, #tpu.memory_space<semaphore_mem>>)
    %add3A_64 = arith.constant 768 : i32
    %add3A_65 = arith.addi %mul3A_34, %add3A_64 : i32
    %dma_start3A_66 = arith.constant 768 : i32
    %dma_start3A_67 = tpu.memref_slice %arg5[%dma_start3A_66] : memref<1024xi32, #tpu.memory_space<vmem>> -> memref<256xi32, #tpu.memory_space<vmem>>
    %dma_start3A_68 = tpu.memref_slice %arg2[%select_n3A, %add3A_65] : memref<4x8192xi32, #tpu.memory_space<hbm>> -> memref<1x256xi32, #tpu.memory_space<hbm>>
    %dma_start3A_69 = tpu.memref_squeeze %dma_start3A_68 : memref<1x256xi32, #tpu.memory_space<hbm>> -> memref<256xi32, #tpu.memory_space<hbm>>
    %dma_start3A_70 = arith.constant 768 : i32
    %dma_start3A_71 = tpu.memref_slice %arg5[%dma_start3A_70] : memref<1024xi32, #tpu.memory_space<vmem>> -> memref<256xi32, #tpu.memory_space<vmem>>
    %dma_start3A_72 = tpu.memref_slice %arg2[%select_n3A, %add3A_65] : memref<4x8192xi32, #tpu.memory_space<hbm>> -> memref<1x256xi32, #tpu.memory_space<hbm>>
    %dma_start3A_73 = tpu.memref_squeeze %dma_start3A_72 : memref<1x256xi32, #tpu.memory_space<hbm>> -> memref<256xi32, #tpu.memory_space<hbm>>
    tpu.enqueue_dma source(%dma_start3A_73 : memref<256xi32, #tpu.memory_space<hbm>>) target(%dma_start3A_71 : memref<256xi32, #tpu.memory_space<vmem>>) target_semaphore(%arg16 : memref<!tpu.dma_semaphore, #tpu.memory_space<semaphore_mem>>)
    %dma_wait3A = arith.constant 0 : i32
    %dma_wait3A_74 = tpu.memref_slice %arg5[%dma_wait3A] : memref<1024xi32, #tpu.memory_space<vmem>> -> memref<256xi32, #tpu.memory_space<vmem>>
    %dma_wait3A_75 = tpu.memref_slice %arg2[%select_n3A, %add3A_36] : memref<4x8192xi32, #tpu.memory_space<hbm>> -> memref<1x256xi32, #tpu.memory_space<hbm>>
    %dma_wait3A_76 = tpu.memref_squeeze %dma_wait3A_75 : memref<1x256xi32, #tpu.memory_space<hbm>> -> memref<256xi32, #tpu.memory_space<hbm>>
    %dma_wait3A_77 = arith.constant 0 : i32
    %dma_wait3A_78 = tpu.memref_slice %arg5[%dma_wait3A_77] : memref<1024xi32, #tpu.memory_space<vmem>> -> memref<256xi32, #tpu.memory_space<vmem>>
    %dma_wait3A_79 = tpu.memref_slice %arg2[%select_n3A, %add3A_36] : memref<4x8192xi32, #tpu.memory_space<hbm>> -> memref<1x256xi32, #tpu.memory_space<hbm>>
    %dma_wait3A_80 = tpu.memref_squeeze %dma_wait3A_79 : memref<1x256xi32, #tpu.memory_space<hbm>> -> memref<256xi32, #tpu.memory_space<hbm>>
    tpu.wait_dma2 semaphore(%arg13 : memref<!tpu.dma_semaphore, #tpu.memory_space<semaphore_mem>>) src(%dma_wait3A_80 : memref<256xi32, #tpu.memory_space<hbm>>) dst(%dma_wait3A_78 : memref<256xi32, #tpu.memory_space<vmem>>)
    %dma_start3A_81 = arith.constant 0 : i32
    %dma_start3A_82 = arith.constant 0 : i32
    %dma_start3A_83 = arith.constant 0 : i32
    %dma_start3A_84 = tpu.memref_slice %arg6[%dma_start3A_81, %dma_start3A_82, %dma_start3A_83] : memref<3x256x128xf32, #tpu.memory_space<vmem>> -> memref<1x256x128xf32, #tpu.memory_space<vmem>>
    %dma_start3A_85 = tpu.memref_squeeze %dma_start3A_84 : memref<1x256x128xf32, #tpu.memory_space<vmem>> -> memref<256x128xf32, #tpu.memory_space<vmem>>
    %dma_start3A_86 = arith.constant 0 : i32
    %dma_start3A_87 = tpu.memref_slice %arg5[%dma_start3A_86] : memref<1024xi32, #tpu.memory_space<vmem>> -> memref<256xi32, #tpu.memory_space<vmem>>
    %dma_start3A_88 = arith.constant 0 : i32
    %dma_start3A_89 = arith.constant 0 : i32
    %dma_start3A_90 = tpu.memref_slice %arg3[%dma_start3A_88, %dma_start3A_89] : memref<8192x128xf32, #tpu.memory_space<hbm>> -> memref<8192x128xf32, #tpu.memory_space<hbm>>
    tpu.enqueue_indirect_dma source(%dma_start3A_90 : memref<8192x128xf32, #tpu.memory_space<hbm>>) target(%dma_start3A_85 : memref<256x128xf32, #tpu.memory_space<vmem>>) offsets(%dma_start3A_87 : memref<256xi32, #tpu.memory_space<vmem>>) semaphore(%arg7 : memref<!tpu.dma_semaphore, #tpu.memory_space<semaphore_mem>>)
    %dma_wait3A_91 = arith.constant 256 : i32
    %dma_wait3A_92 = tpu.memref_slice %arg5[%dma_wait3A_91] : memref<1024xi32, #tpu.memory_space<vmem>> -> memref<256xi32, #tpu.memory_space<vmem>>
    %dma_wait3A_93 = tpu.memref_slice %arg2[%select_n3A, %add3A_45] : memref<4x8192xi32, #tpu.memory_space<hbm>> -> memref<1x256xi32, #tpu.memory_space<hbm>>
    %dma_wait3A_94 = tpu.memref_squeeze %dma_wait3A_93 : memref<1x256xi32, #tpu.memory_space<hbm>> -> memref<256xi32, #tpu.memory_space<hbm>>
    %dma_wait3A_95 = arith.constant 256 : i32
    %dma_wait3A_96 = tpu.memref_slice %arg5[%dma_wait3A_95] : memref<1024xi32, #tpu.memory_space<vmem>> -> memref<256xi32, #tpu.memory_space<vmem>>
    %dma_wait3A_97 = tpu.memref_slice %arg2[%select_n3A, %add3A_45] : memref<4x8192xi32, #tpu.memory_space<hbm>> -> memref<1x256xi32, #tpu.memory_space<hbm>>
    %dma_wait3A_98 = tpu.memref_squeeze %dma_wait3A_97 : memref<1x256xi32, #tpu.memory_space<hbm>> -> memref<256xi32, #tpu.memory_space<hbm>>
    tpu.wait_dma2 semaphore(%arg14 : memref<!tpu.dma_semaphore, #tpu.memory_space<semaphore_mem>>) src(%dma_wait3A_98 : memref<256xi32, #tpu.memory_space<hbm>>) dst(%dma_wait3A_96 : memref<256xi32, #tpu.memory_space<vmem>>)
    %dma_start3A_99 = arith.constant 1 : i32
    %dma_start3A_100 = arith.constant 0 : i32
    %dma_start3A_101 = arith.constant 0 : i32
    %dma_start3A_102 = tpu.memref_slice %arg6[%dma_start3A_99, %dma_start3A_100, %dma_start3A_101] : memref<3x256x128xf32, #tpu.memory_space<vmem>> -> memref<1x256x128xf32, #tpu.memory_space<vmem>>
    %dma_start3A_103 = tpu.memref_squeeze %dma_start3A_102 : memref<1x256x128xf32, #tpu.memory_space<vmem>> -> memref<256x128xf32, #tpu.memory_space<vmem>>
    %dma_start3A_104 = arith.constant 256 : i32
    %dma_start3A_105 = tpu.memref_slice %arg5[%dma_start3A_104] : memref<1024xi32, #tpu.memory_space<vmem>> -> memref<256xi32, #tpu.memory_space<vmem>>
    %dma_start3A_106 = arith.constant 0 : i32
    %dma_start3A_107 = arith.constant 0 : i32
    %dma_start3A_108 = tpu.memref_slice %arg3[%dma_start3A_106, %dma_start3A_107] : memref<8192x128xf32, #tpu.memory_space<hbm>> -> memref<8192x128xf32, #tpu.memory_space<hbm>>
    tpu.enqueue_indirect_dma source(%dma_start3A_108 : memref<8192x128xf32, #tpu.memory_space<hbm>>) target(%dma_start3A_103 : memref<256x128xf32, #tpu.memory_space<vmem>>) offsets(%dma_start3A_105 : memref<256xi32, #tpu.memory_space<vmem>>) semaphore(%arg8 : memref<!tpu.dma_semaphore, #tpu.memory_space<semaphore_mem>>)
    %dma_wait3A_109 = arith.constant 512 : i32
    %dma_wait3A_110 = tpu.memref_slice %arg5[%dma_wait3A_109] : memref<1024xi32, #tpu.memory_space<vmem>> -> memref<256xi32, #tpu.memory_space<vmem>>
    %dma_wait3A_111 = tpu.memref_slice %arg2[%select_n3A, %add3A_55] : memref<4x8192xi32, #tpu.memory_space<hbm>> -> memref<1x256xi32, #tpu.memory_space<hbm>>
    %dma_wait3A_112 = tpu.memref_squeeze %dma_wait3A_111 : memref<1x256xi32, #tpu.memory_space<hbm>> -> memref<256xi32, #tpu.memory_space<hbm>>
    %dma_wait3A_113 = arith.constant 512 : i32
    %dma_wait3A_114 = tpu.memref_slice %arg5[%dma_wait3A_113] : memref<1024xi32, #tpu.memory_space<vmem>> -> memref<256xi32, #tpu.memory_space<vmem>>
    %dma_wait3A_115 = tpu.memref_slice %arg2[%select_n3A, %add3A_55] : memref<4x8192xi32, #tpu.memory_space<hbm>> -> memref<1x256xi32, #tpu.memory_space<hbm>>
    %dma_wait3A_116 = tpu.memref_squeeze %dma_wait3A_115 : memref<1x256xi32, #tpu.memory_space<hbm>> -> memref<256xi32, #tpu.memory_space<hbm>>
    tpu.wait_dma2 semaphore(%arg15 : memref<!tpu.dma_semaphore, #tpu.memory_space<semaphore_mem>>) src(%dma_wait3A_116 : memref<256xi32, #tpu.memory_space<hbm>>) dst(%dma_wait3A_114 : memref<256xi32, #tpu.memory_space<vmem>>)
    %dma_start3A_117 = arith.constant 2 : i32
    %dma_start3A_118 = arith.constant 0 : i32
    %dma_start3A_119 = arith.constant 0 : i32
    %dma_start3A_120 = tpu.memref_slice %arg6[%dma_start3A_117, %dma_start3A_118, %dma_start3A_119] : memref<3x256x128xf32, #tpu.memory_space<vmem>> -> memref<1x256x128xf32, #tpu.memory_space<vmem>>
    %dma_start3A_121 = tpu.memref_squeeze %dma_start3A_120 : memref<1x256x128xf32, #tpu.memory_space<vmem>> -> memref<256x128xf32, #tpu.memory_space<vmem>>
    %dma_start3A_122 = arith.constant 512 : i32
    %dma_start3A_123 = tpu.memref_slice %arg5[%dma_start3A_122] : memref<1024xi32, #tpu.memory_space<vmem>> -> memref<256xi32, #tpu.memory_space<vmem>>
    %dma_start3A_124 = arith.constant 0 : i32
    %dma_start3A_125 = arith.constant 0 : i32
    %dma_start3A_126 = tpu.memref_slice %arg3[%dma_start3A_124, %dma_start3A_125] : memref<8192x128xf32, #tpu.memory_space<hbm>> -> memref<8192x128xf32, #tpu.memory_space<hbm>>
    tpu.enqueue_indirect_dma source(%dma_start3A_126 : memref<8192x128xf32, #tpu.memory_space<hbm>>) target(%dma_start3A_121 : memref<256x128xf32, #tpu.memory_space<vmem>>) offsets(%dma_start3A_123 : memref<256xi32, #tpu.memory_space<vmem>>) semaphore(%arg9 : memref<!tpu.dma_semaphore, #tpu.memory_space<semaphore_mem>>)
    %dma_wait3A_127 = arith.constant 0 : i32
    %dma_wait3A_128 = arith.constant 0 : i32
    %dma_wait3A_129 = arith.constant 0 : i32
    %dma_wait3A_130 = tpu.memref_slice %arg6[%dma_wait3A_127, %dma_wait3A_128, %dma_wait3A_129] : memref<3x256x128xf32, #tpu.memory_space<vmem>> -> memref<1x256x128xf32, #tpu.memory_space<vmem>>
    %dma_wait3A_131 = tpu.memref_squeeze %dma_wait3A_130 : memref<1x256x128xf32, #tpu.memory_space<vmem>> -> memref<256x128xf32, #tpu.memory_space<vmem>>
    %dma_wait3A_132 = arith.constant 0 : i32
    %dma_wait3A_133 = tpu.memref_slice %arg5[%dma_wait3A_132] : memref<1024xi32, #tpu.memory_space<vmem>> -> memref<256xi32, #tpu.memory_space<vmem>>
    %dma_wait3A_134 = arith.constant 0 : i32
    %dma_wait3A_135 = arith.constant 0 : i32
    %dma_wait3A_136 = tpu.memref_slice %arg3[%dma_wait3A_134, %dma_wait3A_135] : memref<8192x128xf32, #tpu.memory_space<hbm>> -> memref<8192x128xf32, #tpu.memory_space<hbm>>
    tpu.wait_indirect_dma semaphore(%arg7 : memref<!tpu.dma_semaphore, #tpu.memory_space<semaphore_mem>>) src(%dma_wait3A_136 : memref<8192x128xf32, #tpu.memory_space<hbm>>) dst(%dma_wait3A_131 : memref<256x128xf32, #tpu.memory_space<vmem>>)
    %add3A_137 = arith.constant 0 : i32
    %add3A_138 = arith.addi %mul3A_2, %add3A_137 : i32
    %dma_start3A_139 = arith.constant 0 : i32
    %dma_start3A_140 = arith.constant 0 : i32
    %dma_start3A_141 = arith.constant 0 : i32
    %dma_start3A_142 = tpu.memref_slice %arg6[%dma_start3A_139, %dma_start3A_140, %dma_start3A_141] : memref<3x256x128xf32, #tpu.memory_space<vmem>> -> memref<1x256x128xf32, #tpu.memory_space<vmem>>
    %dma_start3A_143 = tpu.memref_squeeze %dma_start3A_142 : memref<1x256x128xf32, #tpu.memory_space<vmem>> -> memref<256x128xf32, #tpu.memory_space<vmem>>
    %dma_start3A_144 = arith.constant 0 : i32
    %dma_start3A_145 = tpu.memref_slice %arg4[%add3A_138, %dma_start3A_144] : memref<32768x128xf32, #tpu.memory_space<hbm>> -> memref<256x128xf32, #tpu.memory_space<hbm>>
    %dma_start3A_146 = arith.constant 0 : i32
    %dma_start3A_147 = tpu.memref_slice %arg4[%add3A_138, %dma_start3A_146] : memref<32768x128xf32, #tpu.memory_space<hbm>> -> memref<256x128xf32, #tpu.memory_space<hbm>>
    %dma_start3A_148 = arith.constant 0 : i32
    %dma_start3A_149 = arith.constant 0 : i32
    %dma_start3A_150 = tpu.memref_slice %arg6[%dma_start3A_139, %dma_start3A_148, %dma_start3A_149] : memref<3x256x128xf32, #tpu.memory_space<vmem>> -> memref<1x256x128xf32, #tpu.memory_space<vmem>>
    %dma_start3A_151 = tpu.memref_squeeze %dma_start3A_150 : memref<1x256x128xf32, #tpu.memory_space<vmem>> -> memref<256x128xf32, #tpu.memory_space<vmem>>
    tpu.enqueue_dma source(%dma_start3A_151 : memref<256x128xf32, #tpu.memory_space<vmem>>) target(%dma_start3A_147 : memref<256x128xf32, #tpu.memory_space<hbm>>) target_semaphore(%arg10 : memref<!tpu.dma_semaphore, #tpu.memory_space<semaphore_mem>>)
    %dma_wait3A_152 = arith.constant 0 : i32
    %dma_wait3A_153 = arith.constant 0 : i32
    %dma_wait3A_154 = arith.constant 0 : i32
    %dma_wait3A_155 = tpu.memref_slice %arg6[%dma_wait3A_152, %dma_wait3A_153, %dma_wait3A_154] : memref<3x256x128xf32, #tpu.memory_space<vmem>> -> memref<1x256x128xf32, #tpu.memory_space<vmem>>
    %dma_wait3A_156 = tpu.memref_squeeze %dma_wait3A_155 : memref<1x256x128xf32, #tpu.memory_space<vmem>> -> memref<256x128xf32, #tpu.memory_space<vmem>>
    %dma_wait3A_157 = arith.constant 0 : i32
    %dma_wait3A_158 = tpu.memref_slice %arg4[%add3A_138, %dma_wait3A_157] : memref<32768x128xf32, #tpu.memory_space<hbm>> -> memref<256x128xf32, #tpu.memory_space<hbm>>
    %dma_wait3A_159 = arith.constant 0 : i32
    %dma_wait3A_160 = tpu.memref_slice %arg4[%add3A_138, %dma_wait3A_159] : memref<32768x128xf32, #tpu.memory_space<hbm>> -> memref<256x128xf32, #tpu.memory_space<hbm>>
    %dma_wait3A_161 = arith.constant 0 : i32
    %dma_wait3A_162 = arith.constant 0 : i32
    %dma_wait3A_163 = tpu.memref_slice %arg6[%dma_wait3A_152, %dma_wait3A_161, %dma_wait3A_162] : memref<3x256x128xf32, #tpu.memory_space<vmem>> -> memref<1x256x128xf32, #tpu.memory_space<vmem>>
    %dma_wait3A_164 = tpu.memref_squeeze %dma_wait3A_163 : memref<1x256x128xf32, #tpu.memory_space<vmem>> -> memref<256x128xf32, #tpu.memory_space<vmem>>
    tpu.wait_dma2 semaphore(%arg10 : memref<!tpu.dma_semaphore, #tpu.memory_space<semaphore_mem>>) src(%dma_wait3A_164 : memref<256x128xf32, #tpu.memory_space<vmem>>) dst(%dma_wait3A_160 : memref<256x128xf32, #tpu.memory_space<hbm>>)
    %dma_wait3A_165 = arith.constant 768 : i32
    %dma_wait3A_166 = tpu.memref_slice %arg5[%dma_wait3A_165] : memref<1024xi32, #tpu.memory_space<vmem>> -> memref<256xi32, #tpu.memory_space<vmem>>
    %dma_wait3A_167 = tpu.memref_slice %arg2[%select_n3A, %add3A_65] : memref<4x8192xi32, #tpu.memory_space<hbm>> -> memref<1x256xi32, #tpu.memory_space<hbm>>
    %dma_wait3A_168 = tpu.memref_squeeze %dma_wait3A_167 : memref<1x256xi32, #tpu.memory_space<hbm>> -> memref<256xi32, #tpu.memory_space<hbm>>
    %dma_wait3A_169 = arith.constant 768 : i32
    %dma_wait3A_170 = tpu.memref_slice %arg5[%dma_wait3A_169] : memref<1024xi32, #tpu.memory_space<vmem>> -> memref<256xi32, #tpu.memory_space<vmem>>
    %dma_wait3A_171 = tpu.memref_slice %arg2[%select_n3A, %add3A_65] : memref<4x8192xi32, #tpu.memory_space<hbm>> -> memref<1x256xi32, #tpu.memory_space<hbm>>
    %dma_wait3A_172 = tpu.memref_squeeze %dma_wait3A_171 : memref<1x256xi32, #tpu.memory_space<hbm>> -> memref<256xi32, #tpu.memory_space<hbm>>
    tpu.wait_dma2 semaphore(%arg16 : memref<!tpu.dma_semaphore, #tpu.memory_space<semaphore_mem>>) src(%dma_wait3A_172 : memref<256xi32, #tpu.memory_space<hbm>>) dst(%dma_wait3A_170 : memref<256xi32, #tpu.memory_space<vmem>>)
    %dma_start3A_173 = arith.constant 0 : i32
    %dma_start3A_174 = arith.constant 0 : i32
    %dma_start3A_175 = arith.constant 0 : i32
    %dma_start3A_176 = tpu.memref_slice %arg6[%dma_start3A_173, %dma_start3A_174, %dma_start3A_175] : memref<3x256x128xf32, #tpu.memory_space<vmem>> -> memref<1x256x128xf32, #tpu.memory_space<vmem>>
    %dma_start3A_177 = tpu.memref_squeeze %dma_start3A_176 : memref<1x256x128xf32, #tpu.memory_space<vmem>> -> memref<256x128xf32, #tpu.memory_space<vmem>>
    %dma_start3A_178 = arith.constant 768 : i32
    %dma_start3A_179 = tpu.memref_slice %arg5[%dma_start3A_178] : memref<1024xi32, #tpu.memory_space<vmem>> -> memref<256xi32, #tpu.memory_space<vmem>>
    %dma_start3A_180 = arith.constant 0 : i32
    %dma_start3A_181 = arith.constant 0 : i32
    %dma_start3A_182 = tpu.memref_slice %arg3[%dma_start3A_180, %dma_start3A_181] : memref<8192x128xf32, #tpu.memory_space<hbm>> -> memref<8192x128xf32, #tpu.memory_space<hbm>>
    tpu.enqueue_indirect_dma source(%dma_start3A_182 : memref<8192x128xf32, #tpu.memory_space<hbm>>) target(%dma_start3A_177 : memref<256x128xf32, #tpu.memory_space<vmem>>) offsets(%dma_start3A_179 : memref<256xi32, #tpu.memory_space<vmem>>) semaphore(%arg7 : memref<!tpu.dma_semaphore, #tpu.memory_space<semaphore_mem>>)
    %dma_wait3A_183 = arith.constant 1 : i32
    %dma_wait3A_184 = arith.constant 0 : i32
    %dma_wait3A_185 = arith.constant 0 : i32
    %dma_wait3A_186 = tpu.memref_slice %arg6[%dma_wait3A_183, %dma_wait3A_184, %dma_wait3A_185] : memref<3x256x128xf32, #tpu.memory_space<vmem>> -> memref<1x256x128xf32, #tpu.memory_space<vmem>>
    %dma_wait3A_187 = tpu.memref_squeeze %dma_wait3A_186 : memref<1x256x128xf32, #tpu.memory_space<vmem>> -> memref<256x128xf32, #tpu.memory_space<vmem>>
    %dma_wait3A_188 = arith.constant 256 : i32
    %dma_wait3A_189 = tpu.memref_slice %arg5[%dma_wait3A_188] : memref<1024xi32, #tpu.memory_space<vmem>> -> memref<256xi32, #tpu.memory_space<vmem>>
    %dma_wait3A_190 = arith.constant 0 : i32
    %dma_wait3A_191 = arith.constant 0 : i32
    %dma_wait3A_192 = tpu.memref_slice %arg3[%dma_wait3A_190, %dma_wait3A_191] : memref<8192x128xf32, #tpu.memory_space<hbm>> -> memref<8192x128xf32, #tpu.memory_space<hbm>>
    tpu.wait_indirect_dma semaphore(%arg8 : memref<!tpu.dma_semaphore, #tpu.memory_space<semaphore_mem>>) src(%dma_wait3A_192 : memref<8192x128xf32, #tpu.memory_space<hbm>>) dst(%dma_wait3A_187 : memref<256x128xf32, #tpu.memory_space<vmem>>)
    %add3A_193 = arith.constant 256 : i32
    %add3A_194 = arith.addi %mul3A_2, %add3A_193 : i32
    %dma_start3A_195 = arith.constant 1 : i32
    %dma_start3A_196 = arith.constant 0 : i32
    %dma_start3A_197 = arith.constant 0 : i32
    %dma_start3A_198 = tpu.memref_slice %arg6[%dma_start3A_195, %dma_start3A_196, %dma_start3A_197] : memref<3x256x128xf32, #tpu.memory_space<vmem>> -> memref<1x256x128xf32, #tpu.memory_space<vmem>>
    %dma_start3A_199 = tpu.memref_squeeze %dma_start3A_198 : memref<1x256x128xf32, #tpu.memory_space<vmem>> -> memref<256x128xf32, #tpu.memory_space<vmem>>
    %dma_start3A_200 = arith.constant 0 : i32
    %dma_start3A_201 = tpu.memref_slice %arg4[%add3A_194, %dma_start3A_200] : memref<32768x128xf32, #tpu.memory_space<hbm>> -> memref<256x128xf32, #tpu.memory_space<hbm>>
    %dma_start3A_202 = arith.constant 0 : i32
    %dma_start3A_203 = tpu.memref_slice %arg4[%add3A_194, %dma_start3A_202] : memref<32768x128xf32, #tpu.memory_space<hbm>> -> memref<256x128xf32, #tpu.memory_space<hbm>>
    %dma_start3A_204 = arith.constant 0 : i32
    %dma_start3A_205 = arith.constant 0 : i32
    %dma_start3A_206 = tpu.memref_slice %arg6[%dma_start3A_195, %dma_start3A_204, %dma_start3A_205] : memref<3x256x128xf32, #tpu.memory_space<vmem>> -> memref<1x256x128xf32, #tpu.memory_space<vmem>>
    %dma_start3A_207 = tpu.memref_squeeze %dma_start3A_206 : memref<1x256x128xf32, #tpu.memory_space<vmem>> -> memref<256x128xf32, #tpu.memory_space<vmem>>
    tpu.enqueue_dma source(%dma_start3A_207 : memref<256x128xf32, #tpu.memory_space<vmem>>) target(%dma_start3A_203 : memref<256x128xf32, #tpu.memory_space<hbm>>) target_semaphore(%arg11 : memref<!tpu.dma_semaphore, #tpu.memory_space<semaphore_mem>>)
    %dma_wait3A_208 = arith.constant 2 : i32
    %dma_wait3A_209 = arith.constant 0 : i32
    %dma_wait3A_210 = arith.constant 0 : i32
    %dma_wait3A_211 = tpu.memref_slice %arg6[%dma_wait3A_208, %dma_wait3A_209, %dma_wait3A_210] : memref<3x256x128xf32, #tpu.memory_space<vmem>> -> memref<1x256x128xf32, #tpu.memory_space<vmem>>
    %dma_wait3A_212 = tpu.memref_squeeze %dma_wait3A_211 : memref<1x256x128xf32, #tpu.memory_space<vmem>> -> memref<256x128xf32, #tpu.memory_space<vmem>>
    %dma_wait3A_213 = arith.constant 512 : i32
    %dma_wait3A_214 = tpu.memref_slice %arg5[%dma_wait3A_213] : memref<1024xi32, #tpu.memory_space<vmem>> -> memref<256xi32, #tpu.memory_space<vmem>>
    %dma_wait3A_215 = arith.constant 0 : i32
    %dma_wait3A_216 = arith.constant 0 : i32
    %dma_wait3A_217 = tpu.memref_slice %arg3[%dma_wait3A_215, %dma_wait3A_216] : memref<8192x128xf32, #tpu.memory_space<hbm>> -> memref<8192x128xf32, #tpu.memory_space<hbm>>
    tpu.wait_indirect_dma semaphore(%arg9 : memref<!tpu.dma_semaphore, #tpu.memory_space<semaphore_mem>>) src(%dma_wait3A_217 : memref<8192x128xf32, #tpu.memory_space<hbm>>) dst(%dma_wait3A_212 : memref<256x128xf32, #tpu.memory_space<vmem>>)
    %add3A_218 = arith.constant 512 : i32
    %add3A_219 = arith.addi %mul3A_2, %add3A_218 : i32
    %dma_start3A_220 = arith.constant 2 : i32
    %dma_start3A_221 = arith.constant 0 : i32
    %dma_start3A_222 = arith.constant 0 : i32
    %dma_start3A_223 = tpu.memref_slice %arg6[%dma_start3A_220, %dma_start3A_221, %dma_start3A_222] : memref<3x256x128xf32, #tpu.memory_space<vmem>> -> memref<1x256x128xf32, #tpu.memory_space<vmem>>
    %dma_start3A_224 = tpu.memref_squeeze %dma_start3A_223 : memref<1x256x128xf32, #tpu.memory_space<vmem>> -> memref<256x128xf32, #tpu.memory_space<vmem>>
    %dma_start3A_225 = arith.constant 0 : i32
    %dma_start3A_226 = tpu.memref_slice %arg4[%add3A_219, %dma_start3A_225] : memref<32768x128xf32, #tpu.memory_space<hbm>> -> memref<256x128xf32, #tpu.memory_space<hbm>>
    %dma_start3A_227 = arith.constant 0 : i32
    %dma_start3A_228 = tpu.memref_slice %arg4[%add3A_219, %dma_start3A_227] : memref<32768x128xf32, #tpu.memory_space<hbm>> -> memref<256x128xf32, #tpu.memory_space<hbm>>
    %dma_start3A_229 = arith.constant 0 : i32
    %dma_start3A_230 = arith.constant 0 : i32
    %dma_start3A_231 = tpu.memref_slice %arg6[%dma_start3A_220, %dma_start3A_229, %dma_start3A_230] : memref<3x256x128xf32, #tpu.memory_space<vmem>> -> memref<1x256x128xf32, #tpu.memory_space<vmem>>
    %dma_start3A_232 = tpu.memref_squeeze %dma_start3A_231 : memref<1x256x128xf32, #tpu.memory_space<vmem>> -> memref<256x128xf32, #tpu.memory_space<vmem>>
    tpu.enqueue_dma source(%dma_start3A_232 : memref<256x128xf32, #tpu.memory_space<vmem>>) target(%dma_start3A_228 : memref<256x128xf32, #tpu.memory_space<hbm>>) target_semaphore(%arg12 : memref<!tpu.dma_semaphore, #tpu.memory_space<semaphore_mem>>)
    %dma_wait3A_233 = arith.constant 0 : i32
    %dma_wait3A_234 = arith.constant 0 : i32
    %dma_wait3A_235 = arith.constant 0 : i32
    %dma_wait3A_236 = tpu.memref_slice %arg6[%dma_wait3A_233, %dma_wait3A_234, %dma_wait3A_235] : memref<3x256x128xf32, #tpu.memory_space<vmem>> -> memref<1x256x128xf32, #tpu.memory_space<vmem>>
    %dma_wait3A_237 = tpu.memref_squeeze %dma_wait3A_236 : memref<1x256x128xf32, #tpu.memory_space<vmem>> -> memref<256x128xf32, #tpu.memory_space<vmem>>
    %dma_wait3A_238 = arith.constant 768 : i32
    %dma_wait3A_239 = tpu.memref_slice %arg5[%dma_wait3A_238] : memref<1024xi32, #tpu.memory_space<vmem>> -> memref<256xi32, #tpu.memory_space<vmem>>
    %dma_wait3A_240 = arith.constant 0 : i32
    %dma_wait3A_241 = arith.constant 0 : i32
    %dma_wait3A_242 = tpu.memref_slice %arg3[%dma_wait3A_240, %dma_wait3A_241] : memref<8192x128xf32, #tpu.memory_space<hbm>> -> memref<8192x128xf32, #tpu.memory_space<hbm>>
    tpu.wait_indirect_dma semaphore(%arg7 : memref<!tpu.dma_semaphore, #tpu.memory_space<semaphore_mem>>) src(%dma_wait3A_242 : memref<8192x128xf32, #tpu.memory_space<hbm>>) dst(%dma_wait3A_237 : memref<256x128xf32, #tpu.memory_space<vmem>>)
    %add3A_243 = arith.constant 768 : i32
    %add3A_244 = arith.addi %mul3A_2, %add3A_243 : i32
    %dma_start3A_245 = arith.constant 0 : i32
    %dma_start3A_246 = arith.constant 0 : i32
    %dma_start3A_247 = arith.constant 0 : i32
    %dma_start3A_248 = tpu.memref_slice %arg6[%dma_start3A_245, %dma_start3A_246, %dma_start3A_247] : memref<3x256x128xf32, #tpu.memory_space<vmem>> -> memref<1x256x128xf32, #tpu.memory_space<vmem>>
    %dma_start3A_249 = tpu.memref_squeeze %dma_start3A_248 : memref<1x256x128xf32, #tpu.memory_space<vmem>> -> memref<256x128xf32, #tpu.memory_space<vmem>>
    %dma_start3A_250 = arith.constant 0 : i32
    %dma_start3A_251 = tpu.memref_slice %arg4[%add3A_244, %dma_start3A_250] : memref<32768x128xf32, #tpu.memory_space<hbm>> -> memref<256x128xf32, #tpu.memory_space<hbm>>
    %dma_start3A_252 = arith.constant 0 : i32
    %dma_start3A_253 = tpu.memref_slice %arg4[%add3A_244, %dma_start3A_252] : memref<32768x128xf32, #tpu.memory_space<hbm>> -> memref<256x128xf32, #tpu.memory_space<hbm>>
    %dma_start3A_254 = arith.constant 0 : i32
    %dma_start3A_255 = arith.constant 0 : i32
    %dma_start3A_256 = tpu.memref_slice %arg6[%dma_start3A_245, %dma_start3A_254, %dma_start3A_255] : memref<3x256x128xf32, #tpu.memory_space<vmem>> -> memref<1x256x128xf32, #tpu.memory_space<vmem>>
    %dma_start3A_257 = tpu.memref_squeeze %dma_start3A_256 : memref<1x256x128xf32, #tpu.memory_space<vmem>> -> memref<256x128xf32, #tpu.memory_space<vmem>>
    tpu.enqueue_dma source(%dma_start3A_257 : memref<256x128xf32, #tpu.memory_space<vmem>>) target(%dma_start3A_253 : memref<256x128xf32, #tpu.memory_space<hbm>>) target_semaphore(%arg10 : memref<!tpu.dma_semaphore, #tpu.memory_space<semaphore_mem>>)
    %dma_wait3A_258 = arith.constant 1 : i32
    %dma_wait3A_259 = arith.constant 0 : i32
    %dma_wait3A_260 = arith.constant 0 : i32
    %dma_wait3A_261 = tpu.memref_slice %arg6[%dma_wait3A_258, %dma_wait3A_259, %dma_wait3A_260] : memref<3x256x128xf32, #tpu.memory_space<vmem>> -> memref<1x256x128xf32, #tpu.memory_space<vmem>>
    %dma_wait3A_262 = tpu.memref_squeeze %dma_wait3A_261 : memref<1x256x128xf32, #tpu.memory_space<vmem>> -> memref<256x128xf32, #tpu.memory_space<vmem>>
    %dma_wait3A_263 = arith.constant 0 : i32
    %dma_wait3A_264 = tpu.memref_slice %arg4[%add3A_194, %dma_wait3A_263] : memref<32768x128xf32, #tpu.memory_space<hbm>> -> memref<256x128xf32, #tpu.memory_space<hbm>>
    %dma_wait3A_265 = arith.constant 0 : i32
    %dma_wait3A_266 = tpu.memref_slice %arg4[%add3A_194, %dma_wait3A_265] : memref<32768x128xf32, #tpu.memory_space<hbm>> -> memref<256x128xf32, #tpu.memory_space<hbm>>
    %dma_wait3A_267 = arith.constant 0 : i32
    %dma_wait3A_268 = arith.constant 0 : i32
    %dma_wait3A_269 = tpu.memref_slice %arg6[%dma_wait3A_258, %dma_wait3A_267, %dma_wait3A_268] : memref<3x256x128xf32, #tpu.memory_space<vmem>> -> memref<1x256x128xf32, #tpu.memory_space<vmem>>
    %dma_wait3A_270 = tpu.memref_squeeze %dma_wait3A_269 : memref<1x256x128xf32, #tpu.memory_space<vmem>> -> memref<256x128xf32, #tpu.memory_space<vmem>>
    tpu.wait_dma2 semaphore(%arg11 : memref<!tpu.dma_semaphore, #tpu.memory_space<semaphore_mem>>) src(%dma_wait3A_270 : memref<256x128xf32, #tpu.memory_space<vmem>>) dst(%dma_wait3A_266 : memref<256x128xf32, #tpu.memory_space<hbm>>)
    %dma_wait3A_271 = arith.constant 2 : i32
    %dma_wait3A_272 = arith.constant 0 : i32
    %dma_wait3A_273 = arith.constant 0 : i32
    %dma_wait3A_274 = tpu.memref_slice %arg6[%dma_wait3A_271, %dma_wait3A_272, %dma_wait3A_273] : memref<3x256x128xf32, #tpu.memory_space<vmem>> -> memref<1x256x128xf32, #tpu.memory_space<vmem>>
    %dma_wait3A_275 = tpu.memref_squeeze %dma_wait3A_274 : memref<1x256x128xf32, #tpu.memory_space<vmem>> -> memref<256x128xf32, #tpu.memory_space<vmem>>
    %dma_wait3A_276 = arith.constant 0 : i32
    %dma_wait3A_277 = tpu.memref_slice %arg4[%add3A_219, %dma_wait3A_276] : memref<32768x128xf32, #tpu.memory_space<hbm>> -> memref<256x128xf32, #tpu.memory_space<hbm>>
    %dma_wait3A_278 = arith.constant 0 : i32
    %dma_wait3A_279 = tpu.memref_slice %arg4[%add3A_219, %dma_wait3A_278] : memref<32768x128xf32, #tpu.memory_space<hbm>> -> memref<256x128xf32, #tpu.memory_space<hbm>>
    %dma_wait3A_280 = arith.constant 0 : i32
    %dma_wait3A_281 = arith.constant 0 : i32
    %dma_wait3A_282 = tpu.memref_slice %arg6[%dma_wait3A_271, %dma_wait3A_280, %dma_wait3A_281] : memref<3x256x128xf32, #tpu.memory_space<vmem>> -> memref<1x256x128xf32, #tpu.memory_space<vmem>>
    %dma_wait3A_283 = tpu.memref_squeeze %dma_wait3A_282 : memref<1x256x128xf32, #tpu.memory_space<vmem>> -> memref<256x128xf32, #tpu.memory_space<vmem>>
    tpu.wait_dma2 semaphore(%arg12 : memref<!tpu.dma_semaphore, #tpu.memory_space<semaphore_mem>>) src(%dma_wait3A_283 : memref<256x128xf32, #tpu.memory_space<vmem>>) dst(%dma_wait3A_279 : memref<256x128xf32, #tpu.memory_space<hbm>>)
    %dma_wait3A_284 = arith.constant 0 : i32
    %dma_wait3A_285 = arith.constant 0 : i32
    %dma_wait3A_286 = arith.constant 0 : i32
    %dma_wait3A_287 = tpu.memref_slice %arg6[%dma_wait3A_284, %dma_wait3A_285, %dma_wait3A_286] : memref<3x256x128xf32, #tpu.memory_space<vmem>> -> memref<1x256x128xf32, #tpu.memory_space<vmem>>
    %dma_wait3A_288 = tpu.memref_squeeze %dma_wait3A_287 : memref<1x256x128xf32, #tpu.memory_space<vmem>> -> memref<256x128xf32, #tpu.memory_space<vmem>>
    %dma_wait3A_289 = arith.constant 0 : i32
    %dma_wait3A_290 = tpu.memref_slice %arg4[%add3A_244, %dma_wait3A_289] : memref<32768x128xf32, #tpu.memory_space<hbm>> -> memref<256x128xf32, #tpu.memory_space<hbm>>
    %dma_wait3A_291 = arith.constant 0 : i32
    %dma_wait3A_292 = tpu.memref_slice %arg4[%add3A_244, %dma_wait3A_291] : memref<32768x128xf32, #tpu.memory_space<hbm>> -> memref<256x128xf32, #tpu.memory_space<hbm>>
    %dma_wait3A_293 = arith.constant 0 : i32
    %dma_wait3A_294 = arith.constant 0 : i32
    %dma_wait3A_295 = tpu.memref_slice %arg6[%dma_wait3A_284, %dma_wait3A_293, %dma_wait3A_294] : memref<3x256x128xf32, #tpu.memory_space<vmem>> -> memref<1x256x128xf32, #tpu.memory_space<vmem>>
    %dma_wait3A_296 = tpu.memref_squeeze %dma_wait3A_295 : memref<1x256x128xf32, #tpu.memory_space<vmem>> -> memref<256x128xf32, #tpu.memory_space<vmem>>
    tpu.wait_dma2 semaphore(%arg10 : memref<!tpu.dma_semaphore, #tpu.memory_space<semaphore_mem>>) src(%dma_wait3A_296 : memref<256x128xf32, #tpu.memory_space<vmem>>) dst(%dma_wait3A_292 : memref<256x128xf32, #tpu.memory_space<hbm>>)
    return
  }
}

</mosaic_0001>

<sc_bundles>
// kernel: kernel.3.cloned.1.call-start
scs
__scs_entry_jumppad:
0x0: {  	(pc) =	sbr.rel $0x88, $3  }
0x1: {  	(tag) =	ssettag $0x0;
	lr =	simm.s32 $0x1  }
0x2: {  	[smem:$0x3F9F] =	sst lr;
	_ =	strace $0xD0000000  }
0x3: {  	_ = 	snop  }
0x4: {  	_ = 	snop  }
0x5: {  	_ = 	snop  }
0x6: {  	_ = 	snop  }
0x7: {  	_ = 	snop  }
__scs_overlays_trampoline_lowered:
0x8: {  	[smem:$0x3FAE] =	sst s0  }
0x9: {  	[smem:$0x3FAF] =	sst s1  }
0xa: {  	[smem:$0x3FB0] =	sst s2  }
0xb: {  	[smem:$0x3FB1] =	sst s3  }
0xc: {  	[smem:$0x3FB2] =	sst s4  }
0xd: {  	[smem:$0x3FB3] =	sst s5  }
0xe: {  	[smem:$0x3FB4] =	sst s6  }
0xf: {  	[smem:$0x3FB5] =	sst s7  }
0x10: {  	[smem:$0x3FB6] =	sst s8  }
0x11: {  	[smem:$0x3FB7] =	sst s9;
	s0 =	simm.s32 @!p0 $0x0  }
0x12: {  	s1 =	sld [smem:$0x3F9D];
	s0 =	simm.s32 @p0 $0x1  }
0x13: {  	[smem:$0x3FB8] =	sst s0;
	s0 =	simm.s32 @!p1 $0x0  }
0x14: {  	s2 =	sld [smem:$0x3F9C];
	s0 =	simm.s32 @p1 $0x1  }
0x15: {  	[smem:$0x3FB9] =	sst s0;
	s0 =	simm.s32 @!p2 $0x0  }
0x16: {  	s3 =	sld [smem:$0x3FDB];
	s0 =	simm.s32 @p2 $0x1  }
0x17: {  	s4 =	simm.s32 $0x1BF5;
	[smem:$0x3FBB] =	sst s0  }
0x18: {  	s0 =	sld [smem:$0x3F9E];
	_ =	swait.ge [sflag:s4], $0x0  }
0x19: {  	s7 =	sld [smem:$0x3F9F]  }
0x1a: {  	s8 =	sadd.s32 $0xFFFFE003, lr  }
0x1b: {  	s9 =	sadd.s32 $0xFFFFFEF7, lr;
	s5 =	simm.s32 $0xFFFFFFFF;
	p2 =	slt.u32 s8, $0xFFFFF086  }
0x1c: {  	p1 =	slt.u32 s9, $0xF7A;
	s5 =	simm.s32 @!p2 $0x0  }
0x1d: {  	s5 =	simm.s32 @p1 $0x1;
	p0 =	seq.s32 s7, s2  }
0x1e: {  	s7 =	smul.u32 @!p0 $0xF7A, s2;
	p2 =	seq.s32 @!p0 s5, $0x0  }
0x1f: {  	s9 =	smul.u32 $0xF7A, s1;
	s8 =	simm.s32 @!p0 $0x1BF5;
	p2 =	por !p2, p0  }
0x20: {  	[sflag:s8] =	ssyncset.s32 @!p0 $0xFFFFF086;
	s6 =	sadd.s32 @!p0 s3, s7;
	s7 =	simm.s32 @!p0 $0x108  }
0x21: {  	s3 =	sadd.s32 s3, s9;
	s6 =	sadd.s32 @!p0 $0x88, s6;
	s7 =	simm.s32 @p2 $0x1082  }
0x22: {  	[simem:s7], [sflag:s8] =	dma.local @!p0 [hbm:s6], $0xF7A  }
0x23: {  	s9 =	sor.u32 $0xD0000000, s2;
	s6 =	simm.s32 $0x108;
	_ =	swait.ge @!p0 [sflag:s8], $0x0  }
0x24: {  	s3 =	sadd.s32 $0x88, s3;
	s6 =	simm.s32 @!p1 $0x1082;
	[sflag:s4] =	ssyncset.s32 $0xFFFFF086  }
0x25: {  	[simem:s6], [sflag:s4] =	dma.local [hbm:s3], $0xF7A  }
0x26: {  	[smem:$0x3F9F] =	sst s1;
	(tag) =	ssettag s2;
	_ =	strace s9  }
0x27: {  	s1 =	sld [smem:$0x3FAF]  }
0x28: {  	s2 =	sld [smem:$0x3FB0]  }
0x29: {  	s4 =	sld [smem:$0x3FB2]  }
0x2a: {  	p0 =	seq.s32 s5, $0x0;
	s5 =	sld [smem:$0x3FB3]  }
0x2b: {  	s6 =	sld [smem:$0x3FB4]  }
0x2c: {  	s7 =	sld [smem:$0x3FB5]  }
0x2d: {  	s3 =	simm.s32 $0x108;
	s8 =	sld [smem:$0x3FB6]  }
0x2e: {  	s3 =	simm.s32 @!p0 $0x1082;
	s9 =	sld [smem:$0x3FB7]  }
0x2f: {  	lr =	sadd.s32 s0, s3;
	s0 =	sld [smem:$0x3FAE]  }
0x30: {  	s3 =	sld [smem:$0x3FB1]  }
0x31: {  	[smem:$0x3FBA] =	sst s10  }
0x32: {  	s10 =	sld [smem:$0x3FB8];
	_ =	sdelay $0x3  }
0x33: {  	p0 =	seq.s32 s10, $0x1;
	s10 =	sld [smem:$0x3FBA];
	_ =	sdelay $0x3  }
0x34: {  	[smem:$0x3FBA] =	sst s10  }
0x35: {  	s10 =	sld [smem:$0x3FB9];
	_ =	sdelay $0x3  }
0x36: {  	p1 =	seq.s32 s10, $0x1;
	s10 =	sld [smem:$0x3FBA];
	_ =	sdelay $0x3  }
0x37: {  	[smem:$0x3FBA] =	sst s10  }
0x38: {  	s10 =	sld [smem:$0x3FBB]  }
0x39: {  	_ = 	snop;
	(pc) =	sbr.ind lr, $3  }
0x3a: {  	_ = 	snop  }
0x3b: {  	_ = 	snop  }
0x3c: {  	p2 =	seq.s32 s10, $0x1;
	s10 =	sld [smem:$0x3FBA]  }
0x3d: {  	_ =	shalt  }
0x3e: {  	_ =	shalt  }
0x3f: {  	_ =	shalt  }
0x40: {  	_ =	shalt  }
0x41: {  	_ =	shalt  }
0x42: {  	_ =	shalt  }
0x43: {  	_ =	shalt  }
0x44: {  	_ =	shalt  }
0x45: {  	_ =	shalt  }
0x46: {  	_ =	shalt  }
0x47: {  	_ =	shalt  }
0x48: {  	_ =	shalt  }
0x49: {  	_ =	shalt  }
0x4a: {  	_ =	shalt  }
0x4b: {  	_ =	shalt  }
0x4c: {  	_ =	shalt  }
0x4d: {  	_ =	shalt  }
0x4e: {  	_ =	shalt  }
0x4f: {  	_ =	shalt  }
0x50: {  	_ =	shalt  }
0x51: {  	_ =	shalt  }
0x52: {  	_ =	shalt  }
0x53: {  	_ =	shalt  }
0x54: {  	_ =	shalt  }
0x55: {  	_ =	shalt  }
0x56: {  	_ =	shalt  }
0x57: {  	_ =	shalt  }
0x58: {  	_ =	shalt  }
0x59: {  	_ =	shalt  }
0x5a: {  	_ =	shalt  }
0x5b: {  	_ =	shalt  }
0x5c: {  	_ =	shalt  }
0x5d: {  	_ =	shalt  }
0x5e: {  	_ =	shalt  }
0x5f: {  	_ =	shalt  }
0x60: {  	_ =	shalt  }
0x61: {  	_ =	shalt  }
0x62: {  	_ =	shalt  }
0x63: {  	_ =	shalt  }
0x64: {  	_ =	shalt  }
0x65: {  	_ =	shalt  }
0x66: {  	_ =	shalt  }
0x67: {  	_ =	shalt  }
0x68: {  	_ =	shalt  }
0x69: {  	_ =	shalt  }
0x6a: {  	_ =	shalt  }
0x6b: {  	_ =	shalt  }
0x6c: {  	_ =	shalt  }
0x6d: {  	_ =	shalt  }
0x6e: {  	_ =	shalt  }
0x6f: {  	_ =	shalt  }
0x70: {  	_ =	shalt  }
0x71: {  	_ =	shalt  }
0x72: {  	_ =	shalt  }
0x73: {  	_ =	shalt  }
0x74: {  	_ =	shalt  }
0x75: {  	_ =	shalt  }
0x76: {  	_ =	shalt  }
0x77: {  	_ =	shalt  }
0x78: {  	_ =	shalt  }
0x79: {  	_ =	shalt  }
0x7a: {  	_ =	shalt  }
0x7b: {  	_ =	shalt  }
0x7c: {  	_ =	shalt  }
0x7d: {  	_ =	shalt  }
0x7e: {  	_ =	shalt  }
0x7f: {  	_ =	shalt  }
0x80: {  	_ =	shalt  }
0x81: {  	_ =	shalt  }
0x82: {  	_ =	shalt  }
0x83: {  	_ =	shalt  }
0x84: {  	_ =	shalt  }
0x85: {  	_ =	shalt  }
0x86: {  	_ =	shalt  }
0x87: {  	_ =	shalt  }
.Lfunc_end0:
.L_simem_size_0:
called_computation_lowered:
.L_overlay_start_0:
0x88: {  	s2 =	sld [smem:$0x3FD9]  }
0x89: {  	s3 =	sld [smem:$0x3FFE];
	_ =	sdelay $0x1  }
0x8a: {  	s1 =	srdreg.scid  }
0x8b: {  	s0 =	sand.u32 $0x1, s1  }
0x8c: {  	s18 =	sshll.u32 s0, $0xA;
	s2 =	sadd.s32 s3, s2  }
0x8d: {  	s2 =	sadd.s32 s2, s18  }
0x8e: {  	[smem:$0x3FC6] =	sst s2  }
0x8f: {  	_ = 	snop  }
0x90: {  	s2 =	sld [smem:$0x3FC9]  }
0x91: {  	s19 =	sld [smem:$0x3FC8]  }
0x92: {  	s4 =	sld [smem:$0x3FD0];
	(tm) =	ssettm $0x1  }
0x93: {  	s5 =	sld [smem:$0x3FFB];
	_ =	sdelay $0x3  }
0x94: {  	_ =	strace s5  }
0x95: {  	s5 =	sld [smem:$0x3FFC];
	_ =	sdelay $0x3  }
0x96: {  	_ =	strace s5  }
0x97: {  	s5 =	sld [smem:$0x3FFD];
	_ =	sdelay $0x3  }
0x98: {  	_ =	strace s5  }
0x99: {  	_ =	strace $0x8FFFFFFF  }
0x9a: {  	s20 =	sld [smem:$0x3FDB];
	_ =	sdelay $0x1  }
0x9b: {  	s6 =	simm.s32 $_scs_section_size  }
0x9c: {  	s7 =	simm.s32 $_size__tile_overlayer_lowered;
	s8 =	simm.s32 $_tile_overlayer_lowered  }
0x9d: {  	s23 =	simm.s32 $0x1BFF;
	s22 =	sshll.u32 s8, $0x1;
	s5 =	sadd.s32 s6, s20  }
0x9e: {  	s9 =	simm.s32 $0x0;
	s21 =	sshll.u32 s7, $0x1;
	s7 =	sadd.s32 s22, s5  }
0x9f: {  	[timem:s9], [sflag:s23] =	dma.local [hbm:s7], s21  }
0xa0: {  	_ =	swait.ge [sflag:s23], s21  }
0xa1: {  	s6 =	ssub.s32 $0x0, s21;
	[sflag:s23] =	ssyncset.done $0x0  }
0xa2: {  	[sflag:s23] =	ssyncadd.s32 s6;
	_ =	sdelay $0x1  }
0xa3: {  	s24 =	simm.s32 $0x1B8B  }
0xa4: {  	_ =	swait.ge [sflag:s24], $0x1  }
0xa5: {  	[sflag:s24] =	ssyncset.done $0x0  }
0xa6: {  	s25 =	simm.s32 $0x1B8E;
	[sflag:s24] =	ssyncadd.s32 $0xFFFFFFFF  }
0xa7: {  	s26 =	simm.s32 $execute0_lowered;
	[smem:$0x3FD2] =	sst s25  }
0xa8: {  	s6 =	sshll.u32 s26, $0x1;
	_ =	strace $0x80000046;
	[dreg:$0x1] =	wrdreg $0xFFFFFFFF  }
0xa9: {  	s28 =	simm.s32 $_size_execute0_lowered;
	s5 =	sadd.s32 s5, s6;
	[dreg:$0x0] =	wrdreg $0x0  }
0xaa: {  	s6 =	sshll.u32 s28, $0x1;
	[dreg:$0x2] =	wrdreg s5  }
0xab: {  	[dreg:$0x3] =	wrdreg s6  }
0xac: {  	[dreg:$0x4] =	wrdreg $0xC0  }
0xad: {  	_ =	task [dreg:s9], $0x5FFFF  }
0xae: {  	[dreg:$0x1] =	wrdreg $0xFFFFFFFF  }
0xaf: {  	[dreg:$0x0] =	wrdreg $0x60  }
0xb0: {  	[dreg:$0x2] =	wrdreg s2  }
0xb1: {  	[dreg:$0x3] =	wrdreg s19  }
0xb2: {  	[dreg:$0x4] =	wrdreg s4  }
0xb3: {  	[dreg:$0x5] =	wrdreg $0x9  }
0xb4: {  	_ =	task.clear_ibuf [dreg:s9], $0x6FFFF;
	_ =	strace $0x90000046  }
0xb5: {  	s29 =	simm.s32 $0x9;
	_ =	strace $0x80000048  }
0xb6: {  	_ =	swait.ge [sflag:s29], $0x1  }
0xb7: {  	[sflag:s29] =	ssyncadd.s32 $0xFFFFFFFF  }
0xb8: {  	_ =	strace $0x90000048  }
0xb9: {  	_ =	sfence  }
0xba: {  	s30 =	sld [smem:$0x0];
	_ =	sdelay $0x2  }
0xbb: {  	s31 =	sshll.u32 s1, $0xD;
	s1 =	sshrl.u32 s1, $0x2  }
0xbc: {  	s3 =	sand.u32 $0x4000, s31;
	s1 =	sadd.s32 s1, s30  }
0xbd: {  	s0 =	sor.u32 s3, s0;
	s1 =	sshll.u32 s1, $0x11  }
0xbe: {  	s0 =	sor.u32 s1, s0  }
0xbf: {  	s0 =	sadd.s32 $0x8F2B, s0  }
0xc0: {  	[sflag:s0] =	ssyncadd.remote.s32 $0x1  }
0xc1: {  	_ =	sfence.sel $0xFFFF  }
0xc2: {  	[dreg:$0x0] =	wrdreg $0xFFFFFFFF;
	(pc) =	sbr.abs _section_cstart, $3  }
0xc3: {  	[dreg:$0x1] =	wrdreg $0xFFFFFFFF  }
0xc4: {  	_ =	task.clear_ibuf [dreg:s9], $0x2FFFF;
	_ =	strace $0x9FFFFFFF  }
0xc5: {  	(tm) =	ssettm $0x7FFFFFFF  }
tec
execute0_lowered:
.L_overlay_start_1:
0x0: {  	(tag) =	ssettag $0x1  }
0x1: {  	s4 =	rddreg [dreg:$0x0]  }
0x2: {  	s1 =	srdreg.scid;
	s0 =	stileid.u32  }
0x3: {  	s2 =	rddreg [dreg:$0x1];
	s29 =	sand.u32 $0x1, s1;
	s3 =	sshll.u32 s0, $0x1  }
0x4: {  	s19 =	rddreg [dreg:$0x2];
	s20 =	sor.u32 s29, s3  }
0x5: {  	s6 =	sshll.u32 s0, $0x2;
	s3 =	simm.s32 $0x0;
	s5 =	sshll.u32 s20, $0x9  }
0x6: {  	[smem:$0x7FF] =	sst s3;
	s5 =	sor.u32 s6, s5  }
0x7: {  	s1 =	rddreg [dreg:$0x3];
	_ =	strace $0x80000047;
	s5 =	sand.u32 $0xE30, s5  }
0x8: {  	s6 =	simm.s32 $0x200;
	s4 =	sadd.s32 s4, s5;
	s5 =	simm.s32 $0x80  }
0x9: {  	[tilespmem:s3], [sflag:$0x7] =	stream.strided.gather [hbm4b:s4+s5], $0x100, s6, s5, $0x38;
	[tilespmem:$0x18400] =	vst v63  }
0xa: {  	s8 =	simm.s32 $0x100;
	s7 =	sadd.s32 $0x80, s4  }
0xb: {  	[tilespmem:s8], [sflag:$0x8] =	stream.strided.gather [hbm4b:s7+s5], $0x100, s6, s5, $0x38;
	[tilespmem:$0x18400] =	vst v63  }
0xc: {  	s9 =	sadd.s32 $0x100, s4  }
0xd: {  	[tilespmem:s6], [sflag:$0x9] =	stream.strided.gather [hbm4b:s9+s5], $0x100, s6, s5, $0x38;
	[tilespmem:$0x18400] =	vst v63  }
0xe: {  	s11 =	simm.s32 $0x300;
	s12 =	simm.s32 $0x7;
	s10 =	sadd.s32 $0x180, s4  }
0xf: {  	[tilespmem:s11], [sflag:$0xA] =	stream.strided.gather [hbm4b:s10+s5], $0x100, s6, s5, $0x38;
	[tilespmem:$0x18400] =	vst v63  }
0x10: {  	_ =	swait.ge [sflag:s12], $0x100  }
0x11: {  	[sflag:s12] =	ssyncset.done $0x0  }
0x12: {  	s13 =	simm.s32 $0x400;
	s14 =	simm.s32 $0x8;
	[sflag:s12] =	ssyncadd.s32 $0xFFFFFF00  }
0x13: {  	[tilespmem:s13], [sflag:$0x1] =	stream.indirect.gather [hbm4b:s2+s8], $0x80, s3, s8, $0xb8;
	[tilespmem:$0x18400] =	vst v63  }
0x14: {  	_ =	swait.ge [sflag:s14], $0x100  }
0x15: {  	[sflag:s14] =	ssyncset.done $0x0  }
0x16: {  	s15 =	simm.s32 $0x8400;
	s16 =	simm.s32 $0x9;
	[sflag:s14] =	ssyncadd.s32 $0xFFFFFF00  }
0x17: {  	[tilespmem:s15], [sflag:$0x2] =	stream.indirect.gather [hbm4b:s2+s8], $0x80, s8, s8, $0xb8;
	[tilespmem:$0x18400] =	vst v63  }
0x18: {  	_ =	swait.ge [sflag:s16], $0x100  }
0x19: {  	[sflag:s16] =	ssyncset.done $0x0  }
0x1a: {  	s17 =	simm.s32 $0x10400;
	s18 =	simm.s32 $0x1;
	[sflag:s16] =	ssyncadd.s32 $0xFFFFFF00  }
0x1b: {  	[tilespmem:s17], [sflag:$0x3] =	stream.indirect.gather [hbm4b:s2+s8], $0x80, s6, s8, $0xb8;
	[tilespmem:$0x18400] =	vst v63  }
0x1c: {  	_ =	swait.ge [sflag:s18], $0x8000  }
0x1d: {  	s20 =	sshll.u32 s20, $0xE;
	[sflag:s18] =	ssyncset.done $0x0  }
0x1e: {  	s20 =	sadd.s32 s19, s20;
	s19 =	simm.s32 $0x4;
	[sflag:s18] =	ssyncadd.s32 $0xFFFF8000  }
0x1f: {  	[hbm4b:s20+s3] =	stream.linear.scatter [tilespmem:s13], [sflag:$0x4], $0x8000, $0x38;
	[tilespmem:$0x18400] =	vst v63  }
0x20: {  	_ =	swait.ge [sflag:s19], $0x8000  }
0x21: {  	[sflag:s19] =	ssyncset.done $0x0  }
0x22: {  	s21 =	simm.s32 $0xA;
	[sflag:s19] =	ssyncadd.s32 $0xFFFF8000  }
0x23: {  	_ =	swait.ge [sflag:s21], $0x100  }
0x24: {  	[sflag:s21] =	ssyncset.done $0x0  }
0x25: {  	s22 =	simm.s32 $0x2;
	[sflag:s21] =	ssyncadd.s32 $0xFFFFFF00  }
0x26: {  	[tilespmem:s13], [sflag:$0x1] =	stream.indirect.gather [hbm4b:s2+s8], $0x80, s11, s8, $0xb8;
	[tilespmem:$0x18400] =	vst v63  }
0x27: {  	_ =	swait.ge [sflag:s22], $0x8000  }
0x28: {  	[sflag:s22] =	ssyncset.done $0x0  }
0x29: {  	s24 =	simm.s32 $0x3;
	s23 =	sadd.s32 $0x1000, s20;
	[sflag:s22] =	ssyncadd.s32 $0xFFFF8000  }
0x2a: {  	[hbm4b:s23+s3] =	stream.linear.scatter [tilespmem:s15], [sflag:$0x5], $0x8000, $0x38;
	[tilespmem:$0x18400] =	vst v63  }
0x2b: {  	_ =	swait.ge [sflag:s24], $0x8000  }
0x2c: {  	[sflag:s24] =	ssyncset.done $0x0  }
0x2d: {  	s25 =	sadd.s32 $0x2000, s20;
	[sflag:s24] =	ssyncadd.s32 $0xFFFF8000  }
0x2e: {  	[hbm4b:s25+s3] =	stream.linear.scatter [tilespmem:s17], [sflag:$0x6], $0x8000, $0x38;
	[tilespmem:$0x18400] =	vst v63  }
0x2f: {  	_ =	swait.ge [sflag:s18], $0x8000  }
0x30: {  	s28 =	simm.s32 $0x5;
	s30 =	ssub.s32 $0x2, s29;
	[sflag:s18] =	ssyncset.done $0x0  }
0x31: {  	s31 =	sshrl.u32 s30, $0x1;
	s26 =	sadd.s32 $0x3000, s20;
	[sflag:s18] =	ssyncadd.s32 $0xFFFF8000  }
0x32: {  	[hbm4b:s26+s3] =	stream.linear.scatter [tilespmem:s13], [sflag:$0x4], $0x8000, $0x38;
	[tilespmem:$0x18400] =	vst v63  }
0x33: {  	s30 =	ssub.s32 s30, s31;
	_ =	swait.ge [sflag:s28], $0x8000  }
0x34: {  	s30 =	smax.u32 s30, $0x1;
	[sflag:s28] =	ssyncset.done $0x0  }
0x35: {  	s29 =	simm.s32 $0x6;
	p0 =	sne.s32 s30, $0x1;
	[sflag:s28] =	ssyncadd.s32 $0xFFFF8000  }
.Ltmp0:
0x36: {  	_ =	swait.ge [sflag:s29], $0x8000;
	(pc) =	sbr.rel @!p0 .LBB2_2-.Ltmp0, $4  }
0x37: {  	[sflag:s29] =	ssyncset.done $0x0  }
0x38: {  	[sflag:s29] =	ssyncadd.s32 $0xFFFF8000  }
0x39: {  	_ =	swait.ge [sflag:s19], $0x8000  }
0x3a: {  	s30 =	sadd.s32 $0xFFFFFFFF, s30;
	[sflag:s19] =	ssyncset.done $0x0  }
.LBB2_1:
0x3b: {  	p0 =	sne.s32 s30, $0x1;
	s30 =	sadd.s32 $0xFFFFFFFF, s30;
	[sflag:s19] =	ssyncadd.s32 $0xFFFF8000  }
0x3c: {  	[tilespmem:s3], [sflag:$0x7] =	stream.strided.gather [hbm4b:s4+s5], $0x100, s6, s5, $0x38;
	[tilespmem:$0x18400] =	vst v63  }
0x3d: {  	_ = 	snop  }
0x3e: {  	[tilespmem:s8], [sflag:$0x8] =	stream.strided.gather [hbm4b:s7+s5], $0x100, s6, s5, $0x38;
	[tilespmem:$0x18400] =	vst v63  }
0x3f: {  	_ = 	snop  }
0x40: {  	[tilespmem:s6], [sflag:$0x9] =	stream.strided.gather [hbm4b:s9+s5], $0x100, s6, s5, $0x38;
	[tilespmem:$0x18400] =	vst v63  }
0x41: {  	_ = 	snop  }
0x42: {  	[tilespmem:s11], [sflag:$0xA] =	stream.strided.gather [hbm4b:s10+s5], $0x100, s6, s5, $0x38;
	[tilespmem:$0x18400] =	vst v63  }
0x43: {  	_ =	swait.ge [sflag:s12], $0x100  }
0x44: {  	[sflag:s12] =	ssyncset.done $0x0  }
0x45: {  	[sflag:s12] =	ssyncadd.s32 $0xFFFFFF00  }
0x46: {  	[tilespmem:s13], [sflag:$0x1] =	stream.indirect.gather [hbm4b:s2+s8], $0x80, s3, s8, $0xb8;
	[tilespmem:$0x18400] =	vst v63  }
0x47: {  	_ =	swait.ge [sflag:s14], $0x100  }
0x48: {  	[sflag:s14] =	ssyncset.done $0x0  }
0x49: {  	[sflag:s14] =	ssyncadd.s32 $0xFFFFFF00  }
0x4a: {  	[tilespmem:s15], [sflag:$0x2] =	stream.indirect.gather [hbm4b:s2+s8], $0x80, s8, s8, $0xb8;
	[tilespmem:$0x18400] =	vst v63  }
0x4b: {  	_ =	swait.ge [sflag:s16], $0x100  }
0x4c: {  	[sflag:s16] =	ssyncset.done $0x0  }
0x4d: {  	[sflag:s16] =	ssyncadd.s32 $0xFFFFFF00  }
0x4e: {  	[tilespmem:s17], [sflag:$0x3] =	stream.indirect.gather [hbm4b:s2+s8], $0x80, s6, s8, $0xb8;
	[tilespmem:$0x18400] =	vst v63  }
0x4f: {  	_ =	swait.ge [sflag:s18], $0x8000  }
0x50: {  	[sflag:s18] =	ssyncset.done $0x0  }
0x51: {  	[sflag:s18] =	ssyncadd.s32 $0xFFFF8000  }
0x52: {  	[hbm4b:s20+s3] =	stream.linear.scatter [tilespmem:s13], [sflag:$0x4], $0x8000, $0x38;
	[tilespmem:$0x18400] =	vst v63  }
0x53: {  	_ =	swait.ge [sflag:s19], $0x8000  }
0x54: {  	[sflag:s19] =	ssyncset.done $0x0  }
0x55: {  	[sflag:s19] =	ssyncadd.s32 $0xFFFF8000  }
0x56: {  	_ =	swait.ge [sflag:s21], $0x100  }
0x57: {  	[sflag:s21] =	ssyncset.done $0x0  }
0x58: {  	[sflag:s21] =	ssyncadd.s32 $0xFFFFFF00  }
0x59: {  	[tilespmem:s13], [sflag:$0x1] =	stream.indirect.gather [hbm4b:s2+s8], $0x80, s11, s8, $0xb8;
	[tilespmem:$0x18400] =	vst v63  }
0x5a: {  	_ =	swait.ge [sflag:s22], $0x8000  }
0x5b: {  	[sflag:s22] =	ssyncset.done $0x0  }
0x5c: {  	[sflag:s22] =	ssyncadd.s32 $0xFFFF8000  }
0x5d: {  	[hbm4b:s23+s3] =	stream.linear.scatter [tilespmem:s15], [sflag:$0x5], $0x8000, $0x38;
	[tilespmem:$0x18400] =	vst v63  }
0x5e: {  	_ =	swait.ge [sflag:s24], $0x8000  }
0x5f: {  	[sflag:s24] =	ssyncset.done $0x0  }
0x60: {  	[sflag:s24] =	ssyncadd.s32 $0xFFFF8000  }
0x61: {  	[hbm4b:s25+s3] =	stream.linear.scatter [tilespmem:s17], [sflag:$0x6], $0x8000, $0x38;
	[tilespmem:$0x18400] =	vst v63  }
0x62: {  	_ =	swait.ge [sflag:s18], $0x8000  }
0x63: {  	[sflag:s18] =	ssyncset.done $0x0  }
0x64: {  	[sflag:s18] =	ssyncadd.s32 $0xFFFF8000  }
0x65: {  	[hbm4b:s26+s3] =	stream.linear.scatter [tilespmem:s13], [sflag:$0x4], $0x8000, $0x38;
	[tilespmem:$0x18400] =	vst v63  }
0x66: {  	_ =	swait.ge [sflag:s28], $0x8000  }
0x67: {  	[sflag:s28] =	ssyncset.done $0x0  }
0x68: {  	[sflag:s28] =	ssyncadd.s32 $0xFFFF8000  }
.Ltmp1:
0x69: {  	_ =	swait.ge [sflag:s29], $0x8000;
	(pc) =	sbr.rel @p0 .LBB2_1-.Ltmp1, $4  }
0x6a: {  	[sflag:s29] =	ssyncset.done $0x0  }
0x6b: {  	[sflag:s29] =	ssyncadd.s32 $0xFFFF8000  }
0x6c: {  	_ =	swait.ge [sflag:s19], $0x8000  }
0x6d: {  	[sflag:s19] =	ssyncset.done $0x0  }
.LBB2_2:
0x6e: {  	[sflag:s19] =	ssyncadd.s32 $0xFFFF8000  }
0x6f: {  	_ =	sfence.sel $0x180000  }
0x70: {  	[bflag:$0x0] =	sbarrier.arrive $0xFFFF  }
0x71: {  	p0 =	sne.s32 s0, $0x0;
	_ =	strace $0x90000047  }
0x72: {  	s0 =	sadd.s32 @!p0 $0x100000, s1;
	[bflag:$0x2] =	sbarrier.arrive $0xFFFF  }
0x73: {  	[sflag:s0] =	ssyncadd.tile.s32 @!p0 $0x1;
	_ =	shalt  }
.Lfunc_end2:
_tile_overlayer_lowered:
.L_overlay_start_2:
0x74: {  	(tag) =	ssettag $0x2  }
0x75: {  	s0 =	rddreg [dreg:$0x0];
	s2 =	stileid.u32  }
0x76: {  	s1 =	rddreg [dreg:$0x1];
	p0 =	sne.s32 s2, $0x0  }
0x77: {  	s3 =	rddreg [dreg:$0x2];
	[bflag:$0x3] =	sbarrier.arrive $0xFFFF;
	s2 =	simm.s32 @!p0 $0x1C0B  }
0x78: {  	[timem:s3], [sflag:s2] =	dma.local @!p0 [hbm:s0], s1  }
0x79: {  	s0 =	simm.s32 @!p0 $0xB  }
0x7a: {  	_ =	swait.ge @!p0 [sflag:s0], s1  }
0x7b: {  	s1 =	ssub.s32 @!p0 $0x0, s1;
	[sflag:s0] =	ssyncset.done @!p0 $0x0  }
0x7c: {  	[sflag:s0] =	ssyncadd.s32 @!p0 s1  }
0x7d: {  	[bflag:$0x3] =	sbarrier.arrive $0xFFFF  }
0x7e: {  	_ =	shalt  }

</sc_bundles>
